<compile_context>
chip_gen: v7x
topology: tpu7x:2x2x1
jax: 0.10.2.dev20260603
libtpu: 0.0.44.dev20260713+nightly
codegen_flags: <defaults>
</compile_context>

<pallas_src>
import numpy as np
import jax
import jax.numpy as jnp
from jax.experimental import pallas as pl
from jax.experimental.pallas import tpu as pltpu

_ANCHORS = np.array(
    [[10, 13], [16, 30], [33, 23], [30, 61], [62, 45], [59, 119],
     [116, 90], [156, 198], [373, 326]], dtype=np.float32)
_NUM_CLASSES = 80
_ATTRS = 5 + _NUM_CLASSES
_H = 76
_W = 76
_HW = _H * _W
_STRIDE = 608.0 / 76.0
_NBOX = 24
_NA = 3


def _yolo_body(l_ref, tgt_ref, in_ref, pred_ref, yt_ref, noobj_ref, bls_ref,
               meta_i, meta_f):
    b = pl.program_id(0)
    a = pl.program_id(1)

    x = in_ref[0, 0]
    sig = 1.0 / (1.0 + jnp.exp(-x))
    attr_col = jax.lax.broadcasted_iota(jnp.int32, (_ATTRS, _HW), 0)
    sel = jnp.where((attr_col == 2) | (attr_col == 3), x, sig)
    pred_ref[0, 0] = sel
    yt_ref[0, 0] = jnp.zeros((_ATTRS, _HW), jnp.float32)
    noobj_ref[0, 0] = jnp.ones((_H, _W), jnp.float32)
    bls_ref[0, 0] = jnp.zeros((_H, _W), jnp.float32)

    aw = [float(_ANCHORS[n, 0] / _STRIDE) for n in range(9)]
    ah = [float(_ANCHORS[n, 1] / _STRIDE) for n in range(9)]

    _PROBE_DENSE_ONLY = True
    if _PROBE_DENSE_ONLY:
        return

    @pl.when(a == 0)
    def _():
        base = (2 - l_ref[0]) * 3
        for t in range(_NBOX):
            bt0 = tgt_ref[b, t, 0] * _W
            bt1 = tgt_ref[b, t, 1] * _H
            bt2 = tgt_ref[b, t, 2] * _W
            bt3 = tgt_ref[b, t, 3] * _H
            area = bt2 * bt3

            best_iou = jnp.float32(-1.0)
            baw = jnp.float32(aw[0])
            bah = jnp.float32(ah[0])
            best_n = jnp.int32(0)
            for n in range(9):
                inter = jnp.minimum(bt2, aw[n]) * jnp.minimum(bt3, ah[n])
                union = area + aw[n] * ah[n] - inter
                iou = inter / jnp.maximum(union, 1e-12)
                better = iou > best_iou
                best_iou = jnp.where(better, iou, best_iou)
                best_n = jnp.where(better, jnp.int32(n), best_n)
                baw = jnp.where(better, jnp.float32(aw[n]), baw)
                bah = jnp.where(better, jnp.float32(ah[n]), bah)

            i = bt0.astype(jnp.int32)
            j = bt1.astype(jnp.int32)
            fi = i.astype(jnp.float32)
            meta_i[t, 0] = best_n - base
            meta_i[t, 1] = i
            meta_i[t, 2] = j
            meta_i[t, 3] = tgt_ref[b, t, 4].astype(jnp.int32)
            meta_f[t, 0] = bt0 - fi
            meta_f[t, 1] = bt1 - fi
            meta_f[t, 2] = bt2 / baw
            meta_f[t, 3] = bt3 / bah
            meta_f[t, 4] = area / float(_HW)

    lane_w = jax.lax.broadcasted_iota(jnp.int32, (1, _W), 1)
    attr_row = jax.lax.broadcasted_iota(jnp.int32, (1, _ATTRS), 1)
    for t in range(_NBOX):
        k = meta_i[t, 0]

        @pl.when(k == a)
        def _(t=t):
            i = meta_i[t, 1]
            j = meta_i[t, 2]
            c = meta_i[t, 3]
            cell = j * _W + i
            old = yt_ref[0, 0, pl.ds(cell, 1), :]
            ratio = jnp.where(attr_row == 2, meta_f[t, 2],
                              jnp.where(attr_row == 3, meta_f[t, 3], 1.0))
            lr = jnp.log(ratio)
            head = jnp.where(attr_row == 0, meta_f[t, 0],
                             jnp.where(attr_row == 1, meta_f[t, 1],
                                       jnp.where(attr_row == 4, 1.0, lr)))
            new = jnp.where(attr_row < 5, head,
                            jnp.where(attr_row == c + 5, 1.0, old))
            yt_ref[0, 0, pl.ds(cell, 1), :] = new
            rown = noobj_ref[0, 0, pl.ds(j, 1), :]
            noobj_ref[0, 0, pl.ds(j, 1), :] = jnp.where(
                lane_w == i, 0.0, rown)
            rowb = bls_ref[0, 0, pl.ds(j, 1), :]
            bls_ref[0, 0, pl.ds(j, 1), :] = jnp.where(
                lane_w == i, meta_f[t, 4], rowb)


def _run(l_arr, target, inp2, interpret=False):
    grid_spec = pltpu.PrefetchScalarGridSpec(
        num_scalar_prefetch=2,
        grid=(16, _NA),
        in_specs=[
            pl.BlockSpec((1, 1, _ATTRS, _HW), lambda b, a, *_: (b, a, 0, 0)),
        ],
        out_specs=[
            pl.BlockSpec((1, 1, _ATTRS, _HW), lambda b, a, *_: (b, a, 0, 0)),
            pl.BlockSpec((1, 1, _ATTRS, _HW), lambda b, a, *_: (b, a, 0, 0)),
            pl.BlockSpec((1, 1, _H, _W), lambda b, a, *_: (b, a, 0, 0)),
            pl.BlockSpec((1, 1, _H, _W), lambda b, a, *_: (b, a, 0, 0)),
        ],
        scratch_shapes=[
            pltpu.SMEM((_NBOX, 4), jnp.int32),
            pltpu.SMEM((_NBOX, 5), jnp.float32),
        ],
    )
    out_shapes = [
        jax.ShapeDtypeStruct((16, _NA, _ATTRS, _HW), jnp.float32),
        jax.ShapeDtypeStruct((16, _NA, _ATTRS, _HW), jnp.float32),
        jax.ShapeDtypeStruct((16, _NA, _H, _W), jnp.float32),
        jax.ShapeDtypeStruct((16, _NA, _H, _W), jnp.float32),
    ]
    return pl.pallas_call(
        _yolo_body,
        grid_spec=grid_spec,
        out_shape=out_shapes,
        interpret=interpret,
    )(l_arr, target, inp2)


def kernel(l, input, target):
    B = input.shape[0]
    inp2 = input.reshape(B, _NA, _ATTRS, _HW)
    l_arr = jnp.asarray(l, jnp.int32).reshape(1)
    predv, ytv, noobj, bls = _run(l_arr, target, inp2)
    pred = predv.reshape(B, _NA, _H, _W, _ATTRS)
    y_true = ytv.reshape(B, _NA, _H, _W, _ATTRS)
    return (pred, y_true, noobj, bls)

# --- scband reference (transcript-rebuilt; emitter-appended) ---
"""Pipeline reference for scband-yololoss-29317446763186 (READ-ONLY COPY).

The authoritative reference and input builder live on the scoring server;
editing this copy changes nothing except your own understanding.
"""

import jax, jax.numpy as jnp
import numpy as np
import math

ANCHORS = np.array([[10,13],[16,30],[33,23],[30,61],[62,45],[59,119],[116,90],[156,198],[373,326]], dtype=np.float32)
ANCHORS_MASK = [[6,7,8],[3,4,5],[0,1,2]]
NUM_CLASSES = 80
BBOX_ATTRS = 5 + NUM_CLASSES
INPUT_SHAPE = (608, 608)


def setup_inputs(seed: int = 0):
    key = jax.random.key(seed)
    k1, k2, k3, k4 = jax.random.split(key, 4)
    B, C, H, W = 16, 3 * BBOX_ATTRS, 76, 76
    inp = jax.random.normal(k1, (B, C, H, W), dtype=jnp.float32)
    nbox = 24
    cxcy = jax.random.uniform(k2, (B, nbox, 2), minval=0.05, maxval=0.95, dtype=jnp.float32)
    wh = jax.random.uniform(k3, (B, nbox, 2), minval=0.02, maxval=0.4, dtype=jnp.float32)
    cls = jax.random.randint(k4, (B, nbox, 1), 0, NUM_CLASSES).astype(jnp.float32)
    target = jnp.concatenate([cxcy, wh, cls], axis=-1)
    return {"l": 2, "input": inp, "target": target}


def _calculate_iou(box_a, box_b):
    a_tl = box_a[:, :2] - box_a[:, 2:4] / 2.0
    a_br = box_a[:, :2] + box_a[:, 2:4] / 2.0
    b_tl = box_b[:, :2] - box_b[:, 2:4] / 2.0
    b_br = box_b[:, :2] + box_b[:, 2:4] / 2.0
    lt = jnp.maximum(a_tl[:, None, :], b_tl[None, :, :])
    rb = jnp.minimum(a_br[:, None, :], b_br[None, :, :])
    wh = jnp.clip(rb - lt, 0.0, None)
    inter = wh[..., 0] * wh[..., 1]
    area_a = box_a[:, 2] * box_a[:, 3]
    area_b = box_b[:, 2] * box_b[:, 3]
    union = area_a[:, None] + area_b[None, :] - inter
    return inter / jnp.maximum(union, 1e-12)


def _get_target(l, target, anchors, in_h, in_w):
    bs = target.shape[0]
    nbox = target.shape[1]
    na = len(ANCHORS_MASK[0])
    mask_inds = jnp.asarray(ANCHORS_MASK, dtype=jnp.int32)[l]
    anchors_j = jnp.asarray(anchors, dtype=jnp.float32)
    noobj_mask = jnp.ones((bs, na, in_h, in_w), dtype=jnp.float32)
    box_loss_scale = jnp.zeros((bs, na, in_h, in_w), dtype=jnp.float32)
    y_true = jnp.zeros((bs, na, in_h, in_w, BBOX_ATTRS), dtype=jnp.float32)
    bt0 = target[:, :, 0] * in_w
    bt1 = target[:, :, 1] * in_h
    bt2 = target[:, :, 2] * in_w
    bt3 = target[:, :, 3] * in_h
    cls_id = target[:, :, 4].astype(jnp.int32)
    batch_idx = jnp.arange(bs)
    anchor_shape = jnp.concatenate(
        [jnp.zeros((anchors_j.shape[0], 2), jnp.float32), anchors_j], axis=1)
    for t in range(nbox):
        gt_box = jnp.concatenate(
            [jnp.zeros((bs, 2), jnp.float32),
             jnp.stack([bt2[:, t], bt3[:, t]], axis=1)], axis=1)
        best_n = jnp.argmax(_calculate_iou(gt_box, anchor_shape), axis=-1)
        hits = best_n[:, None] == mask_inds[None, :]
        valid = jnp.any(hits, axis=-1)
        k = jnp.argmax(hits, axis=-1)
        i = jnp.floor(bt0[:, t]).astype(jnp.int32)
        j = jnp.floor(bt1[:, t]).astype(jnp.int32)
        j_w = jnp.where(valid, j, in_h)
        c = cls_id[:, t]
        noobj_mask = noobj_mask.at[batch_idx, k, j_w, i].set(0.0, mode="drop")
        y_true = y_true.at[batch_idx, k, j_w, i, 0].set(
            bt0[:, t] - i.astype(jnp.float32), mode="drop")
        y_true = y_true.at[batch_idx, k, j_w, i, 1].set(
            bt1[:, t] - i.astype(jnp.float32), mode="drop")  # original code uses i (not j); bug preserved
        y_true = y_true.at[batch_idx, k, j_w, i, 2].set(
            jnp.log(bt2[:, t] / anchors_j[best_n, 0]), mode="drop")
        y_true = y_true.at[batch_idx, k, j_w, i, 3].set(
            jnp.log(bt3[:, t] / anchors_j[best_n, 1]), mode="drop")
        y_true = y_true.at[batch_idx, k, j_w, i, 4].set(1.0, mode="drop")
        y_true = y_true.at[batch_idx, k, j_w, i, c + 5].set(1.0, mode="drop")
        box_loss_scale = box_loss_scale.at[batch_idx, k, j_w, i].set(
            bt2[:, t] * bt3[:, t] / in_w / in_h, mode="drop")
    return y_true, noobj_mask, box_loss_scale


def reference(l, input, target):
    batch_size = input.shape[0]
    in_h = input.shape[2]
    in_w = input.shape[3]
    stride_h = INPUT_SHAPE[0] / in_h
    stride_w = INPUT_SHAPE[1] / in_w
    scaled_anchors = np.stack([ANCHORS[:, 0] / stride_w, ANCHORS[:, 1] / stride_h], axis=1)
    na = len(ANCHORS_MASK[0])
    prediction = jnp.transpose(
        input.reshape(batch_size, na, BBOX_ATTRS, in_h, in_w), (0, 1, 3, 4, 2))
    x = jax.nn.sigmoid(prediction[..., 0])
    y = jax.nn.sigmoid(prediction[..., 1])
    w = prediction[..., 2]
    h = prediction[..., 3]
    conf = jax.nn.sigmoid(prediction[..., 4])
    pred_cls = jax.nn.sigmoid(prediction[..., 5:])
    y_true, noobj_mask, box_loss_scale = _get_target(l, target, scaled_anchors, in_h, in_w)
    pred_out = jnp.concatenate(
        [x[..., None], y[..., None], w[..., None], h[..., None], conf[..., None], pred_cls], axis=-1)
    return (pred_out, jnp.asarray(y_true), jnp.asarray(noobj_mask), jnp.asarray(box_loss_scale))

if __name__ == "__main__":
    import jax
    _d = setup_inputs()
    print(jax.jit(kernel)(*tuple(_d.values())))

</pallas_src>

<mosaic_0001>
module attributes {stable_mosaic.version = 14 : i64} {
  func.func @_yolo_body(%arg0: i32, %arg1: i32, %arg2: memref<1xi32, #tpu.memory_space<smem>>, %arg3: memref<16x24x5xf32, #tpu.memory_space<smem>>, %arg4: memref<1x1x85x5776xf32, #tpu.memory_space<vmem>>, %arg5: memref<1x1x85x5776xf32, #tpu.memory_space<vmem>>, %arg6: memref<1x1x85x5776xf32, #tpu.memory_space<vmem>>, %arg7: memref<1x1x76x76xf32, #tpu.memory_space<vmem>>, %arg8: memref<1x1x76x76xf32, #tpu.memory_space<vmem>>, %arg9: memref<24x4xi32, #tpu.memory_space<smem>>, %arg10: memref<24x5xf32, #tpu.memory_space<smem>>) attributes {dimension_semantics = [#tpu.dimension_semantics<arbitrary>, #tpu.dimension_semantics<arbitrary>], iteration_bounds = array<i64: 16, 3>, scalar_prefetch = 2 : i64, scratch_operands = 2 : i64, tpu.core_type = #tpu.core_type<tc>, window_params = [{transform_indices = @transform_0, window_bounds = array<i64: 1, 1, 85, 5776>}, {transform_indices = @transform_1, window_bounds = array<i64: 1, 1, 85, 5776>}, {transform_indices = @transform_2, window_bounds = array<i64: 1, 1, 85, 5776>}, {transform_indices = @transform_3, window_bounds = array<i64: 1, 1, 76, 76>}, {transform_indices = @transform_4, window_bounds = array<i64: 1, 1, 76, 76>}]} {
    %get3A = arith.constant 0 : index
    %get3A_0 = arith.constant 0 : index
    %get3A_1 = arith.constant 0 : index
    %get3A_2 = arith.constant 0 : index
    %get3A_3 = vector.load %arg4[%get3A, %get3A_0, %get3A_1, %get3A_2] : memref<1x1x85x5776xf32, #tpu.memory_space<vmem>>, vector<1x1x85x5776xf32>
    %get3A_4 = vector.shape_cast %get3A_3 : vector<1x1x85x5776xf32> to vector<85x5776xf32>
    %neg3A = arith.constant 0.000000e+00 : f32
    %neg3A_5 = vector.broadcast %neg3A : f32 to vector<85x5776xf32>
    %neg3A_6 = arith.subf %neg3A_5, %get3A_4 : vector<85x5776xf32>
    %exp3A = math.exp %neg3A_6 : vector<85x5776xf32>
    %add3A = arith.constant 1.000000e+00 : f32
    %add3A_7 = vector.broadcast %add3A : f32 to vector<85x5776xf32>
    %add3A_8 = arith.addf %add3A_7, %exp3A : vector<85x5776xf32>
    %div3A = arith.constant 1.000000e+00 : f32
    %div3A_9 = vector.broadcast %div3A : f32 to vector<85x5776xf32>
    %div3A_10 = arith.divf %div3A_9, %add3A_8 : vector<85x5776xf32>
    %iota3A = tpu.iota {dimensions = array<i32: 0>} : vector<85x5776xi32>
    %eq3A = arith.constant 2 : i32
    %eq3A_11 = vector.broadcast %eq3A : i32 to vector<85x5776xi32>
    %eq3A_12 = arith.cmpi eq, %iota3A, %eq3A_11 : vector<85x5776xi32>
    %eq3A_13 = arith.constant 3 : i32
    %eq3A_14 = vector.broadcast %eq3A_13 : i32 to vector<85x5776xi32>
    %eq3A_15 = arith.cmpi eq, %iota3A, %eq3A_14 : vector<85x5776xi32>
    %or3A = arith.ori %eq3A_12, %eq3A_15 : vector<85x5776xi1>
    %select_n3A = arith.select %or3A, %get3A_4, %div3A_10 : vector<85x5776xi1>, vector<85x5776xf32>
    %swap3A = arith.constant 0 : index
    %swap3A_16 = arith.constant 0 : index
    %swap3A_17 = arith.constant 0 : index
    %swap3A_18 = arith.constant 0 : index
    %swap3A_19 = vector.load %arg5[%swap3A, %swap3A_16, %swap3A_17, %swap3A_18] : memref<1x1x85x5776xf32, #tpu.memory_space<vmem>>, vector<1x1x85x5776xf32>
    %swap3A_20 = vector.shape_cast %swap3A_19 : vector<1x1x85x5776xf32> to vector<85x5776xf32>
    %swap3A_21 = vector.shape_cast %select_n3A : vector<85x5776xf32> to vector<1x1x85x5776xf32>
    tpu.vector_store %arg5[%swap3A, %swap3A_16, %swap3A_17, %swap3A_18], %swap3A_21 {strides = array<i32>} : memref<1x1x85x5776xf32, #tpu.memory_space<vmem>>, vector<1x1x85x5776xf32>,
    %broadcast_in_dim3A = arith.constant 0.000000e+00 : f32
    %broadcast_in_dim3A_22 = vector.broadcast %broadcast_in_dim3A : f32 to vector<85x5776xf32>
    %swap3A_23 = arith.constant 0 : index
    %swap3A_24 = arith.constant 0 : index
    %swap3A_25 = arith.constant 0 : index
    %swap3A_26 = arith.constant 0 : index
    %swap3A_27 = vector.load %arg6[%swap3A_23, %swap3A_24, %swap3A_25, %swap3A_26] : memref<1x1x85x5776xf32, #tpu.memory_space<vmem>>, vector<1x1x85x5776xf32>
    %swap3A_28 = vector.shape_cast %swap3A_27 : vector<1x1x85x5776xf32> to vector<85x5776xf32>
    %swap3A_29 = vector.shape_cast %broadcast_in_dim3A_22 : vector<85x5776xf32> to vector<1x1x85x5776xf32>
    tpu.vector_store %arg6[%swap3A_23, %swap3A_24, %swap3A_25, %swap3A_26], %swap3A_29 {strides = array<i32>} : memref<1x1x85x5776xf32, #tpu.memory_space<vmem>>, vector<1x1x85x5776xf32>,
    %broadcast_in_dim3A_30 = arith.constant 1.000000e+00 : f32
    %broadcast_in_dim3A_31 = vector.broadcast %broadcast_in_dim3A_30 : f32 to vector<76x76xf32>
    %swap3A_32 = arith.constant 0 : index
    %swap3A_33 = arith.constant 0 : index
    %swap3A_34 = arith.constant 0 : index
    %swap3A_35 = arith.constant 0 : index
    %swap3A_36 = vector.load %arg7[%swap3A_32, %swap3A_33, %swap3A_34, %swap3A_35] : memref<1x1x76x76xf32, #tpu.memory_space<vmem>>, vector<1x1x76x76xf32>
    %swap3A_37 = vector.shape_cast %swap3A_36 : vector<1x1x76x76xf32> to vector<76x76xf32>
    %swap3A_38 = vector.shape_cast %broadcast_in_dim3A_31 : vector<76x76xf32> to vector<1x1x76x76xf32>
    tpu.vector_store %arg7[%swap3A_32, %swap3A_33, %swap3A_34, %swap3A_35], %swap3A_38 {strides = array<i32>} : memref<1x1x76x76xf32, #tpu.memory_space<vmem>>, vector<1x1x76x76xf32>,
    %broadcast_in_dim3A_39 = arith.constant 0.000000e+00 : f32
    %broadcast_in_dim3A_40 = vector.broadcast %broadcast_in_dim3A_39 : f32 to vector<76x76xf32>
    %swap3A_41 = arith.constant 0 : index
    %swap3A_42 = arith.constant 0 : index
    %swap3A_43 = arith.constant 0 : index
    %swap3A_44 = arith.constant 0 : index
    %swap3A_45 = vector.load %arg8[%swap3A_41, %swap3A_42, %swap3A_43, %swap3A_44] : memref<1x1x76x76xf32, #tpu.memory_space<vmem>>, vector<1x1x76x76xf32>
    %swap3A_46 = vector.shape_cast %swap3A_45 : vector<1x1x76x76xf32> to vector<76x76xf32>
    %swap3A_47 = vector.shape_cast %broadcast_in_dim3A_40 : vector<76x76xf32> to vector<1x1x76x76xf32>
    tpu.vector_store %arg8[%swap3A_41, %swap3A_42, %swap3A_43, %swap3A_44], %swap3A_47 {strides = array<i32>} : memref<1x1x76x76xf32, #tpu.memory_space<vmem>>, vector<1x1x76x76xf32>,
    return
  }
  func.func @transform_0(%arg0: i32, %arg1: i32, %arg2: memref<1xi32, #tpu.memory_space<smem>>, %arg3: memref<16x24x5xf32, #tpu.memory_space<smem>>) -> (i32, i32, i32, i32) {
    %c0_i32 = arith.constant 0 : i32
    %c0_i32_0 = arith.constant 0 : i32
    %c0_i32_1 = arith.constant 0 : i32
    return %arg0, %arg1, %c0_i32, %c0_i32_0 : i32, i32, i32, i32
  }
  func.func @transform_1(%arg0: i32, %arg1: i32, %arg2: memref<1xi32, #tpu.memory_space<smem>>, %arg3: memref<16x24x5xf32, #tpu.memory_space<smem>>) -> (i32, i32, i32, i32) {
    %c0_i32 = arith.constant 0 : i32
    %c0_i32_0 = arith.constant 0 : i32
    %c0_i32_1 = arith.constant 0 : i32
    return %arg0, %arg1, %c0_i32, %c0_i32_0 : i32, i32, i32, i32
  }
  func.func @transform_2(%arg0: i32, %arg1: i32, %arg2: memref<1xi32, #tpu.memory_space<smem>>, %arg3: memref<16x24x5xf32, #tpu.memory_space<smem>>) -> (i32, i32, i32, i32) {
    %c0_i32 = arith.constant 0 : i32
    %c0_i32_0 = arith.constant 0 : i32
    %c0_i32_1 = arith.constant 0 : i32
    return %arg0, %arg1, %c0_i32, %c0_i32_0 : i32, i32, i32, i32
  }
  func.func @transform_3(%arg0: i32, %arg1: i32, %arg2: memref<1xi32, #tpu.memory_space<smem>>, %arg3: memref<16x24x5xf32, #tpu.memory_space<smem>>) -> (i32, i32, i32, i32) {
    %c0_i32 = arith.constant 0 : i32
    %c0_i32_0 = arith.constant 0 : i32
    %c0_i32_1 = arith.constant 0 : i32
    return %arg0, %arg1, %c0_i32, %c0_i32_0 : i32, i32, i32, i32
  }
  func.func @transform_4(%arg0: i32, %arg1: i32, %arg2: memref<1xi32, #tpu.memory_space<smem>>, %arg3: memref<16x24x5xf32, #tpu.memory_space<smem>>) -> (i32, i32, i32, i32) {
    %c0_i32 = arith.constant 0 : i32
    %c0_i32_0 = arith.constant 0 : i32
    %c0_i32_1 = arith.constant 0 : i32
    return %arg0, %arg1, %c0_i32, %c0_i32_0 : i32, i32, i32, i32
  }
}

</mosaic_0001>

<sc_bundles>
// kernel: sparse-core-data-format-call.1.cloned.1.call-start
scs
called_computation.1_lowered:
.L_overlay_start_0:
0x0: {  	s2 =	sld [smem:$0x3FD9]  }
0x1: {  	s3 =	sld [smem:$0x3FFE];
	_ =	sdelay $0x1  }
0x2: {  	s1 =	srdreg.scid  }
0x3: {  	s0 =	sand.u32 $0x1, s1  }
0x4: {  	s15 =	sshll.u32 s0, $0xA;
	s2 =	sadd.s32 s3, s2  }
0x5: {  	s2 =	sadd.s32 s2, s15  }
0x6: {  	[smem:$0x3FC5] =	sst s2  }
0x7: {  	_ = 	snop  }
0x8: {  	s2 =	sld [smem:$0x3FD0];
	_ =	sdelay $0x2  }
0x9: {  	s16 =	simm.s32 $0xB;
	s4 =	simm.s32 $0x10  }
0xa: {  	[smem:s4], [sflag:s16] =	dma.local [hbm:s2], $0x1  }
0xb: {  	_ =	swait.eq [sflag:s16], $0x1  }
0xc: {  	[sflag:s16] =	ssyncset.done $0x0  }
0xd: {  	[sflag:s16] =	ssyncadd.s32 $0xFFFFFFFF  }
0xe: {  	s17 =	sld [smem:$0x10];
	(tm) =	ssettm $0x1  }
0xf: {  	s18 =	sld [smem:$0x3FFB];
	_ =	sdelay $0x3  }
0x10: {  	_ =	strace s18  }
0x11: {  	s3 =	sld [smem:$0x3FFC];
	_ =	sdelay $0x3  }
0x12: {  	_ =	strace s3  }
0x13: {  	s3 =	sld [smem:$0x3FFD];
	_ =	sdelay $0x3  }
0x14: {  	_ =	strace s3  }
0x15: {  	_ =	strace $0x8FFFFFFF  }
0x16: {  	s19 =	sld [smem:$0x3FDB];
	_ =	sdelay $0x1  }
0x17: {  	s20 =	simm.s32 $_scs_section_size  }
0x18: {  	s5 =	simm.s32 $_size__tile_overlayer_lowered;
	s6 =	simm.s32 $_tile_overlayer_lowered  }
0x19: {  	s23 =	simm.s32 $0x1BFF;
	s22 =	sshll.u32 s6, $0x1;
	s3 =	sadd.s32 s20, s19  }
0x1a: {  	s7 =	simm.s32 $0x0;
	s21 =	sshll.u32 s5, $0x1;
	s5 =	sadd.s32 s22, s3  }
0x1b: {  	[timem:s7], [sflag:s23] =	dma.local [hbm:s5], s21  }
0x1c: {  	_ =	swait.ge [sflag:s23], s21  }
0x1d: {  	s4 =	ssub.s32 $0x0, s21;
	[sflag:s23] =	ssyncset.done $0x0  }
0x1e: {  	[sflag:s23] =	ssyncadd.s32 s4;
	_ =	sdelay $0x1  }
0x1f: {  	s24 =	simm.s32 $0x1B8B  }
0x20: {  	_ =	swait.ge [sflag:s24], $0x1  }
0x21: {  	[sflag:s24] =	ssyncset.done $0x0  }
0x22: {  	s26 =	simm.s32 $0x1B8E;
	s25 =	sld [smem:$0x3FFE];
	[sflag:s24] =	ssyncadd.s32 $0xFFFFFFFF  }
0x23: {  	s27 =	simm.s32 $execute0_lowered;
	[smem:$0x3FD2] =	sst s26  }
0x24: {  	s5 =	sshll.u32 s27, $0x1;
	_ =	strace $0x80000046;
	[dreg:$0x1] =	wrdreg $0xFFFFFFFF  }
0x25: {  	s28 =	simm.s32 $_size_execute0_lowered;
	s3 =	sadd.s32 s3, s5;
	[dreg:$0x0] =	wrdreg $0x0  }
0x26: {  	s5 =	sshll.u32 s28, $0x1;
	[dreg:$0x2] =	wrdreg s3  }
0x27: {  	[dreg:$0x3] =	wrdreg s5  }
0x28: {  	[dreg:$0x4] =	wrdreg $0xC0  }
0x29: {  	_ =	task [dreg:s7], $0x5FFFF  }
0x2a: {  	[dreg:$0x1] =	wrdreg $0xFFFFFFFF  }
0x2b: {  	[dreg:$0x0] =	wrdreg $0x60  }
0x2c: {  	[dreg:$0x2] =	wrdreg s25  }
0x2d: {  	[dreg:$0x3] =	wrdreg s17  }
0x2e: {  	[dreg:$0x4] =	wrdreg $0xA  }
0x2f: {  	_ =	task.clear_ibuf [dreg:s7], $0x5FFFF;
	_ =	strace $0x90000046  }
0x30: {  	s29 =	simm.s32 $0xA;
	_ =	strace $0x80000048  }
0x31: {  	_ =	swait.ge [sflag:s29], $0x1  }
0x32: {  	[sflag:s29] =	ssyncadd.s32 $0xFFFFFFFF  }
0x33: {  	_ =	strace $0x90000048  }
0x34: {  	_ =	sfence  }
0x35: {  	s30 =	sld [smem:$0x0];
	_ =	sdelay $0x2  }
0x36: {  	s31 =	sshll.u32 s1, $0xD;
	s1 =	sshrl.u32 s1, $0x2  }
0x37: {  	s3 =	sand.u32 $0x4000, s31;
	s1 =	sadd.s32 s1, s30  }
0x38: {  	s0 =	sor.u32 s3, s0;
	s1 =	sshll.u32 s1, $0x11  }
0x39: {  	s0 =	sor.u32 s1, s0  }
0x3a: {  	s0 =	sadd.s32 $0x8F2B, s0  }
0x3b: {  	[sflag:s0] =	ssyncadd.remote.s32 $0x1  }
0x3c: {  	_ =	sfence.sel $0xFFFF  }
0x3d: {  	[dreg:$0x0] =	wrdreg $0xFFFFFFFF;
	(pc) =	sbr.abs _section_cstart, $3  }
0x3e: {  	[dreg:$0x1] =	wrdreg $0xFFFFFFFF  }
0x3f: {  	_ =	task.clear_ibuf [dreg:s7], $0x2FFFF;
	_ =	strace $0x9FFFFFFF  }
0x40: {  	(tm) =	ssettm $0x7FFFFFFF  }
0x41: {  	_ =	shalt  }
tec
execute0_lowered:
.L_overlay_start_1:
0x0: {  	(tag) =	ssettag $0x1  }
0x1: {  	s0 =	stileid.u32;
	s1 =	srdreg.scid  }
0x2: {  	s7 =	rddreg [dreg:$0x0];
	s8 =	simm.s32 $0x2;
	s21 =	simm.s32 $0x0  }
0x3: {  	s9 =	simm.s32 $0x400;
	s10 =	simm.s32 $0x800;
	s11 =	simm.s32 $0x0  }
0x4: {  	s23 =	simm.s32 $0x0;
	s1 =	sshll.u32 s1, $0x4;
	s2 =	sshll.u32 s0, $0x3  }
0x5: {  	s24 =	simm.s32 $0x0;
	s3 =	sand.u32 $0x10, s1;
	s1 =	sand.u32 $0x8, s2  }
0x6: {  	s22 =	simm.s32 $0x0;
	s30 =	sor.u32 s0, s3;
	s4 =	ssub.s32 $0x10, s1  }
0x7: {  	s12 =	simm.s32 $0x0;
	s3 =	sshrl.u32 s30, $0x1;
	s31 =	sshrl.u32 s4, $0x3  }
0x8: {  	s5 =	sshrl.u32 s4, $0x4;
	s2 =	sand.u32 $0x1, s31;
	s6 =	ssub.s32 $0x5B, s3  }
0x9: {  	s13 =	simm.s32 $0x0;
	s5 =	sadd.s32 s5, s2;
	s6 =	sshrl.u32 s6, $0x4  }
0xa: {  	s14 =	simm.s32 $0x0;
	s15 =	simm.s32 $0x0;
	s6 =	smul.u32 s6, s5  }
.Ltmp0:
0xb: {  	s16 =	simm.s32 $0x0;
	s4 =	rddreg [dreg:$0x1];
	(pc) =	sbr.rel .LBB1_1-.Ltmp0, $4  }
0xc: {  	s18 =	simm.s32 $0x0;
	s20 =	simm.s32 $0x0;
	s2 =	rddreg [dreg:$0x2]  }
0xd: {  	_ =	strace $0x80000047;
	s5 =	simm.s32 $0x1;
	s6 =	smul.u32 $0xF, s6  }
0xe: {  	s7 =	sadd.s32 $0x316400, s7;
	s19 =	smov.u32 s1;
	[sflag:s5] =	ssyncpa.u1 $0x0  }
0xf: {  	s17 =	smov.u32 s3;
	[sflag:s8] =	ssyncpa.u1 $0x0;
	s8 =	sadd.s32 $0x1, s6  }
.LBB1_7:
0x10: {  	p0 =	slt.u32 s20, $0x2  }
0x11: {  	p1 =	sgt.s32 @!p0 s24, $0x2;
	s26 =	sshra.s32 @!p0 s24, $0x1F  }
0x12: {  	s25 =	smov.u32 s24;
	p1 =	por !p1, p0;
	s24 =	sand.u32 @!p0 s26, s24  }
0x13: {  	s26 =	sshra.s32 @!p0 s23, $0x1F;
	s25 =	simm.s32 @p1 $0x2;
	p1 =	sgt.s32 @!p0 s23, $0x4B  }
0x14: {  	s24 =	ssub.s32 @!p0 s25, s24;
	p1 =	por !p1, p0;
	s25 =	smov.u32 s23  }
0x15: {  	s23 =	sand.u32 @!p0 s26, s23;
	s26 =	sadd.s32 @!p0 $0xFFFFFFFE, s24;
	s25 =	simm.s32 @p1 $0x4B  }
0x16: {  	p2 =	sgt.s32 @!p0 s22, $0x8;
	p1 =	sgt.s32 @!p0 s26, $0x0;
	s23 =	ssub.s32 @!p0 s25, s23  }
0x17: {  	s24 =	ssub.s32 @!p0 $0x3, s24;
	p1 =	por !p1, p0;
	s25 =	sadd.s32 @!p0 $0xFFFFFFB5, s23  }
0x18: {  	s26 =	sshra.s32 @!p0 s22, $0x1F;
	s24 =	simm.s32 @!p1 $0x0;
	p1 =	sgt.s32 @!p0 s25, $0x0  }
0x19: {  	s23 =	ssub.s32 @!p0 $0x4C, s23;
	s25 =	smov.u32 s22;
	p1 =	por !p1, p0  }
0x1a: {  	s22 =	sand.u32 @!p0 s26, s22;
	s23 =	simm.s32 @!p1 $0x0;
	p1 =	por !p2, p0  }
0x1b: {  	s26 =	smov.u32 s21;
	p2 =	sgt.s32 @!p0 s21, $0x3C;
	s25 =	simm.s32 @p1 $0x8  }
0x1c: {  	p1 =	por !p2, p0;
	s22 =	ssub.s32 @!p0 s25, s22;
	s25 =	sshra.s32 @!p0 s21, $0x1F  }
0x1d: {  	s28 =	smov.u32 s19;
	s26 =	simm.s32 @p1 $0x3C;
	s21 =	sand.u32 @!p0 s25, s21  }
0x1e: {  	s11 =	sadd.s32 $0x4000, s11;
	s22 =	sadd.s32 @!p0 $0xFFFFFFF8, s22;
	s21 =	ssub.s32 @!p0 s26, s21  }
0x1f: {  	p1 =	sgt.s32 @!p0 s22, $0x7;
	s22 =	sshll.u32 @!p0 s22, $0x7;
	s26 =	smov.u32 s17  }
0x20: {  	s25 =	sadd.s32 @!p0 $0xFFFFFFC4, s21;
	s22 =	ssub.s32 @!p0 $0x400, s22;
	p1 =	por !p1, p0  }
0x21: {  	p2 =	sgt.s32 @!p0 s25, $0xF;
	s22 =	simm.s32 @!p1 $0x0;
	s25 =	sadd.s32 $0x10, s16  }
0x22: {  	s22 =	smul.u32 @!p0 s24, s22;
	p1 =	sgt.s32 s25, $0x4B;
	s24 =	sadd.s32 $0x10, s17  }
0x23: {  	s21 =	ssub.s32 @!p0 $0x4C, s21;
	p2 =	por !p2, p0;
	s26 =	smov.u32 @p1 s24  }
0x24: {  	s22 =	smul.u32 @!p0 s23, s22;
	p3 =	sgt.s32 s26, $0x4B;
	s23 =	simm.s32 $0x1  }
0x25: {  	s29 =	simm.s32 @!p0 $0x2;
	s21 =	simm.s32 @!p2 $0x0;
	s23 =	simm.s32 @!p3 $0x0  }
0x26: {  	s25 =	simm.s32 @p1 $0x0;
	s24 =	smov.u32 s14;
	s27 =	sadd.s32 s23, s18  }
0x27: {  	s21 =	smul.u32 @!p0 s21, s22;
	s22 =	sadd.s32 $0x10, s19;
	p1 =	sgt.s32 s27, $0x2  }
0x28: {  	s14 =	smov.u32 s18;
	s26 =	smov.u32 @p3 s3;
	s28 =	smov.u32 @p1 s22  }
0x29: {  	s23 =	smov.u32 s13;
	s27 =	simm.s32 @p1 $0x0;
	p1 =	sgt.s32 s28, $0xF  }
0x2a: {  	s13 =	smov.u32 s17;
	s28 =	smov.u32 @p1 s1;
	p1 =	sne.s32 s20, s8  }
.Ltmp1:
0x2b: {  	s17 =	smov.u32 s26;
	s21 =	sand.u32 @!p0 $0x3FFFFF80, s21;
	(pc) =	sbr.rel @!p1 .LBB1_8-.Ltmp1, $4  }
0x2c: {  	s22 =	smov.u32 s15;
	s15 =	smov.u32 s19;
	_ =	swait.ge @!p0 [sflag:s29], s21  }
0x2d: {  	s30 =	ssub.s32 @!p0 $0x0, s21;
	s21 =	smov.u32 s12;
	s12 =	smov.u32 s16  }
0x2e: {  	s16 =	smov.u32 s25;
	s18 =	smov.u32 s27;
	[sflag:s29] =	ssyncset.done @!p0 $0x0  }
0x2f: {  	s20 =	sadd.s32 $0x1, s20;
	[sflag:s29] =	ssyncadd.s32 @!p0 s30;
	s19 =	smov.u32 s28  }
.LBB1_1:
0x30: {  	p0 =	sge.u32 s20, s6  }
0x31: {  	s25 =	sand.u32 @!p0 $0x1FFFFFF, s16;
	s27 =	smul.u32 @!p0 $0x47400, s19  }
0x32: {  	s26 =	smulhi.u32 @!p0 $0x3333334, s25  }
0x33: {  	s28 =	smul.u32 @!p0 $0x17C00, s18  }
0x34: {  	s31 =	sadd.s32 $0xFFFFFFFF, s20;
	s26 =	smul.u32 @!p0 $0x50, s26  }
0x35: {  	s29 =	sxor.u32 @!p0 $0xFFFFFFFF, s20;
	s30 =	smul.u32 @!p0 $0x500, s17;
	s27 =	sadd.s32 @!p0 s7, s27  }
0x36: {  	s27 =	sadd.s32 @!p0 s28, s27;
	s28 =	simm.s32 @!p0 $0x23A000;
	s25 =	ssub.s32 @!p0 s25, s26  }
0x37: {  	s27 =	sadd.s32 @!p0 s30, s27;
	s26 =	sshll.u32 @!p0 s29, $0xE;
	s25 =	sshll.u32 @!p0 s25, $0x4  }
0x38: {  	s26 =	sand.u32 @!p0 $0x4000, s26;
	s25 =	sadd.s32 @!p0 s25, s27;
	s27 =	simm.s32 @!p0 $0x800  }
0x39: {  	[tilespmem:s26], [sflag:$0x1] =	stream.strided.gather @!p0 [hbm4b:s25+s27], $0x4000, s28, s27, $0x38;
	[tilespmem:$0x10000] =	vst v63  }
0x3a: {  	p0 =	sge.u32 s31, s6  }
.Ltmp2:
0x3b: {  	_ = 	snop;
	(pc) =	sbr.rel @p0 .LBB1_7-.Ltmp2, $1  }
0x3c: {  	_ =	sdelay $0x3  }
0x3d: {  	s25 =	sand.u32 $0x4000, s11  }
0x3e: {  	_ =	swait.ge [sflag:s5], $0x4000;
	s28 =	sshll.u32 s20, $0xE;
	s26 =	sor.u32 $0x8040, s25  }
0x3f: {  	s27 =	sor.u32 $0x40, s25;
	[sflag:s5] =	ssyncset.done $0x0;
	s31 =	sand.u32 $0x4000, s28  }
0x40: {  	s28 =	simm.s32 $0x0;
	[sflag:s5] =	ssyncadd.s32 $0xFFFFC000;
	s25 =	sor.u32 $0x8000, s31  }
.LBB1_3:
0x41: {  	v0 =	vmov s27;
	_ =	sdelay $0x3  }
0x42: {  	s30 =	simm.s32 $0x0  }
0x43: {  	v6 =	vld.idx.msk [tilespmem:v0+s30+$0x30 ss:$0x1], $0xffff  }
0x44: {  	v7 =	vld.idx.msk [tilespmem:v0+s30+$0xFFFFFFC0 ss:$0x1], $0xffff  }
0x45: {  	v5 =	vld.idx.msk [tilespmem:v0+s30+$0xFFFFFFD0 ss:$0x1], $0xffff  }
0x46: {  	v4 =	vld.idx.msk [tilespmem:v0+s30+$0xFFFFFFE0 ss:$0x1], $0xffff  }
0x47: {  	v3 =	vld.idx.msk [tilespmem:v0+s30+$0xFFFFFFF0 ss:$0x1], $0xffff  }
0x48: {  	v1 =	vld.idx.msk [tilespmem:v0+s30+$0x0 ss:$0x1], $0xffff  }
0x49: {  	v2 =	vld.idx.msk [tilespmem:v0+s30+$0x10 ss:$0x1], $0xffff;
	[tilespmem:s26+$0x30] =	vst v6  }
0x4a: {  	s29 =	simm.s32 $0x80;
	s31 =	simm.s32 $0x400;
	[tilespmem:s26+$0xFFFFFFC0] =	vst v7;
	v6 =	vld.idx.msk [tilespmem:v0+s30+$0x20 ss:$0x1], $0xffff;
	s30 =	smov.u32 s26  }
.LBB1_4:
0x4b: {  	p0 =	sne.s32 s31, $0x1E00;
	v7 =	vld.idx.msk [tilespmem:v0+s29+$0x30 ss:$0x1], $0xffff;
	[tilespmem:s30+$0xFFFFFFD0] =	vst v5  }
0x4c: {  	v8 =	vld.idx.msk [tilespmem:v0+s29+$0xFFFFFFC0 ss:$0x1], $0xffff;
	[tilespmem:s30+$0xFFFFFFE0] =	vst v4  }
0x4d: {  	v5 =	vld.idx.msk [tilespmem:v0+s29+$0xFFFFFFD0 ss:$0x1], $0xffff;
	[tilespmem:s30+$0xFFFFFFF0] =	vst v3  }
.Ltmp3:
0x4e: {  	v4 =	vld.idx.msk [tilespmem:v0+s29+$0xFFFFFFE0 ss:$0x1], $0xffff;
	[tilespmem:s30+$0x0] =	vst v1;
	(pc) =	sbr.rel @p0 .LBB1_4-.Ltmp3, $4  }
0x4f: {  	v3 =	vld.idx.msk [tilespmem:v0+s29+$0xFFFFFFF0 ss:$0x1], $0xffff;
	[tilespmem:s30+$0x10] =	vst v2  }
0x50: {  	v1 =	vld.idx.msk [tilespmem:v0+s29+$0x0 ss:$0x1], $0xffff;
	[tilespmem:s30+$0x20] =	vst v6;
	s30 =	sadd.s32 $0x400, s30  }
0x51: {  	v2 =	vld.idx.msk [tilespmem:v0+s29+$0x10 ss:$0x1], $0xffff;
	[tilespmem:s30+$0x30] =	vst v7  }
0x52: {  	[tilespmem:s30+$0xFFFFFFC0] =	vst v8;
	v6 =	vld.idx.msk [tilespmem:v0+s29+$0x20 ss:$0x1], $0xffff;
	s29 =	sshra.s32 s31, $0x2;
	s31 =	sadd.s32 $0x200, s31  }
0x53: {  	_ =	sdelay $0x2  }
0x54: {  	[tilespmem:s30+$0xFFFFFFD0] =	vst v5  }
0x55: {  	v56 =	vld.idx.msk [tilespmem:v0+s29+$0x30 ss:$0x1], $0xffff;
	[tilespmem:s30+$0xFFFFFFE0] =	vst v4  }
0x56: {  	v57 =	vld.idx.msk [tilespmem:v0+s29+$0xFFFFFFC0 ss:$0x1], $0xffff;
	[tilespmem:s30+$0xFFFFFFF0] =	vst v3  }
0x57: {  	v58 =	vld.idx.msk [tilespmem:v0+s29+$0xFFFFFFD0 ss:$0x1], $0xffff;
	[tilespmem:s30+$0x0] =	vst v1  }
0x58: {  	v59 =	vld.idx.msk [tilespmem:v0+s29+$0xFFFFFFE0 ss:$0x1], $0xffff;
	[tilespmem:s30+$0x10] =	vst v2  }
0x59: {  	v60 =	vld.idx.msk [tilespmem:v0+s29+$0xFFFFFFF0 ss:$0x1], $0xffff;
	s31 =	sadd.s32 $0x400, s30;
	[tilespmem:s30+$0x20] =	vst v6  }
0x5a: {  	v61 =	vld.idx.msk [tilespmem:v0+s29+$0x0 ss:$0x1], $0xffff;
	[tilespmem:s31+$0x30] =	vst v56  }
0x5b: {  	v62 =	vld.idx.msk [tilespmem:v0+s29+$0x10 ss:$0x1], $0xffff;
	s28 =	sadd.s32 $0x1, s28;
	[tilespmem:s31+$0xFFFFFFC0] =	vst v57  }
0x5c: {  	v63 =	vld.idx.msk [tilespmem:v0+s29+$0x20 ss:$0x1], $0xffff;
	p0 =	sne.s32 s28, $0x8;
	[tilespmem:s31+$0xFFFFFFD0] =	vst v58  }
.Ltmp4:
0x5d: {  	[tilespmem:s31+$0xFFFFFFE0] =	vst v59;
	(pc) =	sbr.rel @p0 .LBB1_3-.Ltmp4, $4  }
0x5e: {  	[tilespmem:s31+$0xFFFFFFF0] =	vst v60  }
0x5f: {  	[tilespmem:s31+$0x0] =	vst v61  }
0x60: {  	[tilespmem:s31+$0x10] =	vst v62  }
0x61: {  	s26 =	sadd.s32 $0x80, s26;
	s27 =	sadd.s32 $0x800, s27;
	[tilespmem:s31+$0x20] =	vst v63  }
0x62: {  	p0 =	sgt.s32 s14, $0x2;
	s26 =	smov.u32 s14;
	s27 =	sshra.s32 s14, $0x1F  }
0x63: {  	s26 =	simm.s32 @!p0 $0x2;
	s27 =	sand.u32 s27, s14  }
0x64: {  	p1 =	sgt.s32 s13, $0x4B;
	s28 =	sshra.s32 s13, $0x1F;
	s26 =	ssub.s32 s26, s27  }
0x65: {  	s29 =	smov.u32 s15;
	s30 =	sshra.s32 s15, $0x1F;
	s27 =	sadd.s32 $0xFFFFFFFE, s26  }
0x66: {  	s28 =	sand.u32 s28, s13;
	p0 =	sgt.s32 s27, $0x0;
	s27 =	smov.u32 s13  }
0x67: {  	s26 =	ssub.s32 $0x3, s26;
	s27 =	simm.s32 @!p1 $0x4B;
	p1 =	sgt.s32 s15, $0x8  }
0x68: {  	s27 =	ssub.s32 s27, s28;
	s29 =	simm.s32 @!p1 $0x8;
	s28 =	sand.u32 s30, s15  }
0x69: {  	s26 =	simm.s32 @p0 $0x0;
	s28 =	ssub.s32 s29, s28  }
0x6a: {  	p1 =	sgt.s32 s12, $0x3C;
	s31 =	sadd.s32 $0xFFFFFFB5, s27;
	s28 =	sadd.s32 $0xFFFFFFF8, s28  }
0x6b: {  	s29 =	smov.u32 s12;
	p2 =	sgt.s32 s28, $0x7;
	s28 =	sshll.u32 s28, $0x7  }
0x6c: {  	p0 =	sgt.s32 s31, $0x0;
	s31 =	sshra.s32 s12, $0x1F;
	s28 =	ssub.s32 $0x400, s28  }
0x6d: {  	s29 =	simm.s32 @!p1 $0x3C;
	s30 =	sand.u32 s31, s12;
	s28 =	simm.s32 @p2 $0x0  }
0x6e: {  	s27 =	ssub.s32 $0x4C, s27;
	s29 =	ssub.s32 s29, s30;
	s26 =	smul.u32 s26, s28  }
0x6f: {  	s30 =	sadd.s32 $0xFFFFFFC4, s29;
	s28 =	ssub.s32 $0x4C, s29;
	s29 =	smul.u32 $0x169000, s14  }
0x70: {  	s27 =	simm.s32 @p0 $0x0;
	p0 =	sgt.s32 s30, $0xF;
	s30 =	smul.u32 $0x4C00, s13  }
0x71: {  	s31 =	sshll.u32 s15, $0x4;
	s28 =	simm.s32 @p0 $0x0;
	s26 =	smul.u32 s27, s26  }
.Ltmp5:
0x72: {  	s27 =	sand.u32 $0xF0, s31;
	s29 =	sadd.s32 s4, s29;
	(pc) =	sbr.rel .LBB1_7-.Ltmp5, $4  }
0x73: {  	s27 =	sadd.s32 s27, s29;
	s26 =	smul.u32 s28, s26  }
0x74: {  	s31 =	sshll.u32 s12, $0x8;
	s27 =	sadd.s32 s30, s27  }
0x75: {  	s27 =	sadd.s32 s31, s27;
	s26 =	sand.u32 $0x3FFFFF80, s26  }
0x76: {  	[hbm4b:s27+s9] =	stream.strided.scatter [tilespmem:s25], [sflag:$0x2], s26, s10, s9, $0x38;
	[tilespmem:$0x10000] =	vst v63  }
.LBB1_8:
0x77: {  	_ =	sfence.sel $0x180000  }
0x78: {  	s1 =	simm.s32 $0x1;
	[bflag:$0x0] =	sbarrier.arrive $0xFFFF  }
0x79: {  	s31 =	simm.s32 $0x2;
	[sflag:s1] =	ssyncpa.u1 $0x1  }
0x7a: {  	[sflag:s31] =	ssyncpa.u1 $0x1  }
0x7b: {  	p0 =	sne.s32 s0, $0x0;
	_ =	strace $0x90000047  }
0x7c: {  	s0 =	sadd.s32 @!p0 $0x100000, s2;
	[bflag:$0x2] =	sbarrier.arrive $0xFFFF  }
0x7d: {  	[sflag:s0] =	ssyncadd.tile.s32 @!p0 $0x1;
	_ =	shalt  }
.Lfunc_end1:
_tile_overlayer_lowered:
.L_overlay_start_2:
0x7e: {  	(tag) =	ssettag $0x2  }
0x7f: {  	s0 =	rddreg [dreg:$0x0];
	s2 =	stileid.u32  }
0x80: {  	s1 =	rddreg [dreg:$0x1];
	p0 =	sne.s32 s2, $0x0  }
0x81: {  	s3 =	rddreg [dreg:$0x2];
	[bflag:$0x3] =	sbarrier.arrive $0xFFFF;
	s2 =	simm.s32 @!p0 $0x1C01  }
0x82: {  	[timem:s3], [sflag:s2] =	dma.local @!p0 [hbm:s0], s1  }
0x83: {  	s0 =	simm.s32 @!p0 $0x1  }
0x84: {  	_ =	swait.ge @!p0 [sflag:s0], s1  }
0x85: {  	s1 =	ssub.s32 @!p0 $0x0, s1;
	[sflag:s0] =	ssyncset.done @!p0 $0x0  }
0x86: {  	[sflag:s0] =	ssyncadd.s32 @!p0 s1  }
0x87: {  	[bflag:$0x3] =	sbarrier.arrive $0xFFFF  }
0x88: {  	_ =	shalt  }

// kernel: sparse-core-data-format-call.cloned.1.call-start
scs
called_computation_lowered:
.L_overlay_start_0:
0x0: {  	s2 =	sld [smem:$0x3FD9]  }
0x1: {  	s3 =	sld [smem:$0x3FFE];
	_ =	sdelay $0x1  }
0x2: {  	s1 =	srdreg.scid  }
0x3: {  	s0 =	sand.u32 $0x1, s1  }
0x4: {  	s16 =	sshll.u32 s0, $0xA;
	s2 =	sadd.s32 s3, s2  }
0x5: {  	s2 =	sadd.s32 s2, s16  }
0x6: {  	[smem:$0x3FC5] =	sst s2  }
0x7: {  	_ = 	snop  }
0x8: {  	s2 =	sld [smem:$0x3FD0];
	_ =	sdelay $0x2  }
0x9: {  	s17 =	simm.s32 $0xB;
	s4 =	simm.s32 $0x10  }
0xa: {  	[smem:s4], [sflag:s17] =	dma.local [hbm:s2], $0x1  }
0xb: {  	_ =	swait.eq [sflag:s17], $0x1  }
0xc: {  	[sflag:s17] =	ssyncset.done $0x0  }
0xd: {  	[sflag:s17] =	ssyncadd.s32 $0xFFFFFFFF  }
0xe: {  	s18 =	sld [smem:$0x11];
	(tm) =	ssettm $0x1  }
0xf: {  	s19 =	sld [smem:$0x3FFB];
	_ =	sdelay $0x3  }
0x10: {  	_ =	strace s19  }
0x11: {  	s2 =	sld [smem:$0x3FFC];
	_ =	sdelay $0x3  }
0x12: {  	_ =	strace s2  }
0x13: {  	s2 =	sld [smem:$0x3FFD];
	_ =	sdelay $0x3  }
0x14: {  	_ =	strace s2  }
0x15: {  	_ =	strace $0x8FFFFFFF  }
0x16: {  	s20 =	sld [smem:$0x3FDB];
	_ =	sdelay $0x1  }
0x17: {  	s21 =	simm.s32 $_scs_section_size  }
0x18: {  	s5 =	simm.s32 $_size__tile_overlayer_lowered;
	s6 =	simm.s32 $_tile_overlayer_lowered  }
0x19: {  	s7 =	simm.s32 $0x1BFF;
	s22 =	sshll.u32 s6, $0x1;
	s4 =	sadd.s32 s21, s20  }
0x1a: {  	s23 =	simm.s32 $0x0;
	s5 =	sshll.u32 s5, $0x1;
	s6 =	sadd.s32 s22, s4  }
0x1b: {  	[timem:s23], [sflag:s7] =	dma.local [hbm:s6], s5  }
0x1c: {  	_ =	swait.ge [sflag:s7], s5  }
0x1d: {  	s5 =	ssub.s32 $0x0, s5;
	[sflag:s7] =	ssyncset.done $0x0  }
0x1e: {  	[sflag:s7] =	ssyncadd.s32 s5;
	_ =	sdelay $0x1  }
0x1f: {  	s24 =	simm.s32 $0x1B8B  }
0x20: {  	_ =	swait.ge [sflag:s24], $0x1  }
0x21: {  	[sflag:s24] =	ssyncset.done $0x0  }
0x22: {  	[sflag:s24] =	ssyncadd.s32 $0xFFFFFFFF  }
0x23: {  	s5 =	sld [smem:$0x0]  }
0x24: {  	s6 =	sand.u32 $0xFFFFFFFE, s1  }
0x25: {  	p0 =	sne.s32 s1, s6  }
0x26: {  	s6 =	sshll.u32 @p0 s6, $0xE  }
0x27: {  	s6 =	sadd.s32 @p0 $0x11B8D, s6;
	s7 =	sshll.u32 @p0 s5, $0x11  }
0x28: {  	s6 =	sor.u32 @p0 s7, s6  }
0x29: {  	[sflag:s6] =	ssyncadd.remote.s32 @p0 $0x1;
	_ =	sdelay $0x1  }
0x2a: {  	s6 =	simm.s32 @p0 $0x1B8D  }
0x2b: {  	_ =	swait.eq @p0 [sflag:s6], $0x1  }
0x2c: {  	[sflag:s6] =	ssyncadd.s32 @p0 $0xFFFFFFFF  }
0x2d: {  	s7 =	sshll.u32 @!p0 s1, $0xE  }
0x2e: {  	s7 =	sor.u32 @!p0 $0x4000, s7;
	s6 =	simm.s32 @!p0 $0x1B8D  }
0x2f: {  	s5 =	sshll.u32 @!p0 s5, $0x11;
	s7 =	sadd.s32 @!p0 $0x11B8D, s7;
	_ =	swait.eq @!p0 [sflag:s6], $0x1  }
0x30: {  	s5 =	sor.u32 @!p0 s5, s7;
	[sflag:s6] =	ssyncadd.s32 @!p0 $0xFFFFFFFF  }
0x31: {  	s26 =	simm.s32 $0x1B8E;
	s25 =	sld [smem:$0x3FFE];
	[sflag:s5] =	ssyncadd.remote.s32 @!p0 $0x1  }
0x32: {  	s27 =	simm.s32 $execute0_lowered;
	[smem:$0x3FD2] =	sst s26  }
0x33: {  	s6 =	sshll.u32 s27, $0x1;
	_ =	strace $0x80000049;
	[dreg:$0x1] =	wrdreg $0xFFFFFFFF  }
0x34: {  	s28 =	simm.s32 $_size_execute0_lowered;
	s4 =	sadd.s32 s4, s6;
	[dreg:$0x0] =	wrdreg $0x0  }
0x35: {  	s6 =	sshll.u32 s28, $0x1;
	[dreg:$0x2] =	wrdreg s4  }
0x36: {  	[dreg:$0x3] =	wrdreg s6  }
0x37: {  	[dreg:$0x4] =	wrdreg $0xC0  }
0x38: {  	_ =	task [dreg:s23], $0x5FFFF  }
0x39: {  	[dreg:$0x1] =	wrdreg $0xFFFFFFFF  }
0x3a: {  	[dreg:$0x0] =	wrdreg $0x60  }
0x3b: {  	[dreg:$0x2] =	wrdreg s25  }
0x3c: {  	[dreg:$0x3] =	wrdreg s18  }
0x3d: {  	[dreg:$0x4] =	wrdreg $0x9  }
0x3e: {  	_ =	task.clear_ibuf [dreg:s23], $0x5FFFF;
	_ =	strace $0x90000049  }
0x3f: {  	s29 =	simm.s32 $0x9;
	_ =	strace $0x8000004B  }
0x40: {  	_ =	swait.ge [sflag:s29], $0x1  }
0x41: {  	[sflag:s29] =	ssyncadd.s32 $0xFFFFFFFF  }
0x42: {  	_ =	strace $0x9000004B  }
0x43: {  	_ =	sfence  }
0x44: {  	s30 =	sld [smem:$0x0];
	_ =	sdelay $0x2  }
0x45: {  	s31 =	sshll.u32 s1, $0xD;
	s1 =	sshrl.u32 s1, $0x2  }
0x46: {  	s4 =	sand.u32 $0x4000, s31;
	s1 =	sadd.s32 s1, s30  }
0x47: {  	s0 =	sor.u32 s4, s0;
	s1 =	sshll.u32 s1, $0x11  }
0x48: {  	s0 =	sor.u32 s1, s0  }
0x49: {  	s0 =	sadd.s32 $0x8F2B, s0  }
0x4a: {  	[sflag:s0] =	ssyncadd.remote.s32 $0x1  }
0x4b: {  	_ =	sfence.sel $0xFFFF  }
0x4c: {  	[dreg:$0x0] =	wrdreg $0xFFFFFFFF;
	(pc) =	sbr.abs _section_cstart, $3  }
0x4d: {  	[dreg:$0x1] =	wrdreg $0xFFFFFFFF  }
0x4e: {  	_ =	task.clear_ibuf [dreg:s23], $0x2FFFF;
	_ =	strace $0x9FFFFFFF  }
0x4f: {  	(tm) =	ssettm $0x7FFFFFFF  }
tec
execute0_lowered:
.L_overlay_start_1:
0x0: {  	(tag) =	ssettag $0x1  }
0x1: {  	s0 =	stileid.u32;
	s1 =	srdreg.scid  }
0x2: {  	s7 =	rddreg [dreg:$0x0];
	s8 =	simm.s32 $0x2;
	s21 =	simm.s32 $0x0  }
0x3: {  	s9 =	simm.s32 $0x400;
	s10 =	simm.s32 $0x800;
	s11 =	simm.s32 $0x0  }
0x4: {  	s23 =	simm.s32 $0x0;
	s1 =	sshll.u32 s1, $0x4;
	s2 =	sshll.u32 s0, $0x3  }
0x5: {  	s24 =	simm.s32 $0x0;
	s3 =	sand.u32 $0x10, s1;
	s1 =	sand.u32 $0x8, s2  }
0x6: {  	s22 =	simm.s32 $0x0;
	s30 =	sor.u32 s0, s3;
	s4 =	ssub.s32 $0x10, s1  }
0x7: {  	s12 =	simm.s32 $0x0;
	s3 =	sshrl.u32 s30, $0x1;
	s31 =	sshrl.u32 s4, $0x3  }
0x8: {  	s5 =	sshrl.u32 s4, $0x4;
	s2 =	sand.u32 $0x1, s31;
	s6 =	ssub.s32 $0x5B, s3  }
0x9: {  	s13 =	simm.s32 $0x0;
	s5 =	sadd.s32 s5, s2;
	s6 =	sshrl.u32 s6, $0x4  }
0xa: {  	s14 =	simm.s32 $0x0;
	s15 =	simm.s32 $0x0;
	s6 =	smul.u32 s6, s5  }
.Ltmp0:
0xb: {  	s16 =	simm.s32 $0x0;
	s4 =	rddreg [dreg:$0x1];
	(pc) =	sbr.rel .LBB1_1-.Ltmp0, $4  }
0xc: {  	s18 =	simm.s32 $0x0;
	s20 =	simm.s32 $0x0;
	s2 =	rddreg [dreg:$0x2]  }
0xd: {  	_ =	strace $0x8000004A;
	s5 =	simm.s32 $0x1;
	s6 =	smul.u32 $0xF, s6  }
0xe: {  	s7 =	sadd.s32 $0x78A400, s7;
	s19 =	smov.u32 s1;
	[sflag:s5] =	ssyncpa.u1 $0x0  }
0xf: {  	s17 =	smov.u32 s3;
	[sflag:s8] =	ssyncpa.u1 $0x0;
	s8 =	sadd.s32 $0x1, s6  }
.LBB1_7:
0x10: {  	p0 =	slt.u32 s20, $0x2  }
0x11: {  	p1 =	sgt.s32 @!p0 s24, $0x2;
	s26 =	sshra.s32 @!p0 s24, $0x1F  }
0x12: {  	s25 =	smov.u32 s24;
	p1 =	por !p1, p0;
	s24 =	sand.u32 @!p0 s26, s24  }
0x13: {  	s26 =	sshra.s32 @!p0 s23, $0x1F;
	s25 =	simm.s32 @p1 $0x2;
	p1 =	sgt.s32 @!p0 s23, $0x4B  }
0x14: {  	s24 =	ssub.s32 @!p0 s25, s24;
	p1 =	por !p1, p0;
	s25 =	smov.u32 s23  }
0x15: {  	s23 =	sand.u32 @!p0 s26, s23;
	s26 =	sadd.s32 @!p0 $0xFFFFFFFE, s24;
	s25 =	simm.s32 @p1 $0x4B  }
0x16: {  	p2 =	sgt.s32 @!p0 s22, $0x8;
	p1 =	sgt.s32 @!p0 s26, $0x0;
	s23 =	ssub.s32 @!p0 s25, s23  }
0x17: {  	s24 =	ssub.s32 @!p0 $0x3, s24;
	p1 =	por !p1, p0;
	s25 =	sadd.s32 @!p0 $0xFFFFFFB5, s23  }
0x18: {  	s26 =	sshra.s32 @!p0 s22, $0x1F;
	s24 =	simm.s32 @!p1 $0x0;
	p1 =	sgt.s32 @!p0 s25, $0x0  }
0x19: {  	s23 =	ssub.s32 @!p0 $0x4C, s23;
	s25 =	smov.u32 s22;
	p1 =	por !p1, p0  }
0x1a: {  	s22 =	sand.u32 @!p0 s26, s22;
	s23 =	simm.s32 @!p1 $0x0;
	p1 =	por !p2, p0  }
0x1b: {  	s26 =	smov.u32 s21;
	p2 =	sgt.s32 @!p0 s21, $0x3C;
	s25 =	simm.s32 @p1 $0x8  }
0x1c: {  	p1 =	por !p2, p0;
	s22 =	ssub.s32 @!p0 s25, s22;
	s25 =	sshra.s32 @!p0 s21, $0x1F  }
0x1d: {  	s28 =	smov.u32 s19;
	s26 =	simm.s32 @p1 $0x3C;
	s21 =	sand.u32 @!p0 s25, s21  }
0x1e: {  	s11 =	sadd.s32 $0x4000, s11;
	s22 =	sadd.s32 @!p0 $0xFFFFFFF8, s22;
	s21 =	ssub.s32 @!p0 s26, s21  }
0x1f: {  	p1 =	sgt.s32 @!p0 s22, $0x7;
	s22 =	sshll.u32 @!p0 s22, $0x7;
	s26 =	smov.u32 s17  }
0x20: {  	s25 =	sadd.s32 @!p0 $0xFFFFFFC4, s21;
	s22 =	ssub.s32 @!p0 $0x400, s22;
	p1 =	por !p1, p0  }
0x21: {  	p2 =	sgt.s32 @!p0 s25, $0xF;
	s22 =	simm.s32 @!p1 $0x0;
	s25 =	sadd.s32 $0x10, s16  }
0x22: {  	s22 =	smul.u32 @!p0 s24, s22;
	p1 =	sgt.s32 s25, $0x4B;
	s24 =	sadd.s32 $0x10, s17  }
0x23: {  	s21 =	ssub.s32 @!p0 $0x4C, s21;
	p2 =	por !p2, p0;
	s26 =	smov.u32 @p1 s24  }
0x24: {  	s22 =	smul.u32 @!p0 s23, s22;
	p3 =	sgt.s32 s26, $0x4B;
	s23 =	simm.s32 $0x1  }
0x25: {  	s29 =	simm.s32 @!p0 $0x2;
	s21 =	simm.s32 @!p2 $0x0;
	s23 =	simm.s32 @!p3 $0x0  }
0x26: {  	s25 =	simm.s32 @p1 $0x0;
	s24 =	smov.u32 s14;
	s27 =	sadd.s32 s23, s18  }
0x27: {  	s21 =	smul.u32 @!p0 s21, s22;
	s22 =	sadd.s32 $0x10, s19;
	p1 =	sgt.s32 s27, $0x2  }
0x28: {  	s14 =	smov.u32 s18;
	s26 =	smov.u32 @p3 s3;
	s28 =	smov.u32 @p1 s22  }
0x29: {  	s23 =	smov.u32 s13;
	s27 =	simm.s32 @p1 $0x0;
	p1 =	sgt.s32 s28, $0xF  }
0x2a: {  	s13 =	smov.u32 s17;
	s28 =	smov.u32 @p1 s1;
	p1 =	sne.s32 s20, s8  }
.Ltmp1:
0x2b: {  	s17 =	smov.u32 s26;
	s21 =	sand.u32 @!p0 $0x3FFFFF80, s21;
	(pc) =	sbr.rel @!p1 .LBB1_8-.Ltmp1, $4  }
0x2c: {  	s22 =	smov.u32 s15;
	s15 =	smov.u32 s19;
	_ =	swait.ge @!p0 [sflag:s29], s21  }
0x2d: {  	s30 =	ssub.s32 @!p0 $0x0, s21;
	s21 =	smov.u32 s12;
	s12 =	smov.u32 s16  }
0x2e: {  	s16 =	smov.u32 s25;
	s18 =	smov.u32 s27;
	[sflag:s29] =	ssyncset.done @!p0 $0x0  }
0x2f: {  	s20 =	sadd.s32 $0x1, s20;
	[sflag:s29] =	ssyncadd.s32 @!p0 s30;
	s19 =	smov.u32 s28  }
.LBB1_1:
0x30: {  	p0 =	sge.u32 s20, s6  }
0x31: {  	s25 =	sand.u32 @!p0 $0x1FFFFFF, s16;
	s27 =	smul.u32 @!p0 $0x47400, s19  }
0x32: {  	s26 =	smulhi.u32 @!p0 $0x3333334, s25  }
0x33: {  	s28 =	smul.u32 @!p0 $0x17C00, s18  }
0x34: {  	s31 =	sadd.s32 $0xFFFFFFFF, s20;
	s26 =	smul.u32 @!p0 $0x50, s26  }
0x35: {  	s29 =	sxor.u32 @!p0 $0xFFFFFFFF, s20;
	s30 =	smul.u32 @!p0 $0x500, s17;
	s27 =	sadd.s32 @!p0 s7, s27  }
0x36: {  	s27 =	sadd.s32 @!p0 s28, s27;
	s28 =	simm.s32 @!p0 $0x23A000;
	s25 =	ssub.s32 @!p0 s25, s26  }
0x37: {  	s27 =	sadd.s32 @!p0 s30, s27;
	s26 =	sshll.u32 @!p0 s29, $0xE;
	s25 =	sshll.u32 @!p0 s25, $0x4  }
0x38: {  	s26 =	sand.u32 @!p0 $0x4000, s26;
	s25 =	sadd.s32 @!p0 s25, s27;
	s27 =	simm.s32 @!p0 $0x800  }
0x39: {  	[tilespmem:s26], [sflag:$0x1] =	stream.strided.gather @!p0 [hbm4b:s25+s27], $0x4000, s28, s27, $0x38;
	[tilespmem:$0x10000] =	vst v63  }
0x3a: {  	p0 =	sge.u32 s31, s6  }
.Ltmp2:
0x3b: {  	_ = 	snop;
	(pc) =	sbr.rel @p0 .LBB1_7-.Ltmp2, $1  }
0x3c: {  	_ =	sdelay $0x3  }
0x3d: {  	s25 =	sand.u32 $0x4000, s11  }
0x3e: {  	_ =	swait.ge [sflag:s5], $0x4000;
	s28 =	sshll.u32 s20, $0xE;
	s26 =	sor.u32 $0x8040, s25  }
0x3f: {  	s27 =	sor.u32 $0x40, s25;
	[sflag:s5] =	ssyncset.done $0x0;
	s31 =	sand.u32 $0x4000, s28  }
0x40: {  	s28 =	simm.s32 $0x0;
	[sflag:s5] =	ssyncadd.s32 $0xFFFFC000;
	s25 =	sor.u32 $0x8000, s31  }
.LBB1_3:
0x41: {  	v0 =	vmov s27;
	_ =	sdelay $0x3  }
0x42: {  	s30 =	simm.s32 $0x0  }
0x43: {  	v6 =	vld.idx.msk [tilespmem:v0+s30+$0x30 ss:$0x1], $0xffff  }
0x44: {  	v7 =	vld.idx.msk [tilespmem:v0+s30+$0xFFFFFFC0 ss:$0x1], $0xffff  }
0x45: {  	v5 =	vld.idx.msk [tilespmem:v0+s30+$0xFFFFFFD0 ss:$0x1], $0xffff  }
0x46: {  	v4 =	vld.idx.msk [tilespmem:v0+s30+$0xFFFFFFE0 ss:$0x1], $0xffff  }
0x47: {  	v3 =	vld.idx.msk [tilespmem:v0+s30+$0xFFFFFFF0 ss:$0x1], $0xffff  }
0x48: {  	v1 =	vld.idx.msk [tilespmem:v0+s30+$0x0 ss:$0x1], $0xffff  }
0x49: {  	v2 =	vld.idx.msk [tilespmem:v0+s30+$0x10 ss:$0x1], $0xffff;
	[tilespmem:s26+$0x30] =	vst v6  }
0x4a: {  	s29 =	simm.s32 $0x80;
	s31 =	simm.s32 $0x400;
	[tilespmem:s26+$0xFFFFFFC0] =	vst v7;
	v6 =	vld.idx.msk [tilespmem:v0+s30+$0x20 ss:$0x1], $0xffff;
	s30 =	smov.u32 s26  }
.LBB1_4:
0x4b: {  	p0 =	sne.s32 s31, $0x1E00;
	v7 =	vld.idx.msk [tilespmem:v0+s29+$0x30 ss:$0x1], $0xffff;
	[tilespmem:s30+$0xFFFFFFD0] =	vst v5  }
0x4c: {  	v8 =	vld.idx.msk [tilespmem:v0+s29+$0xFFFFFFC0 ss:$0x1], $0xffff;
	[tilespmem:s30+$0xFFFFFFE0] =	vst v4  }
0x4d: {  	v5 =	vld.idx.msk [tilespmem:v0+s29+$0xFFFFFFD0 ss:$0x1], $0xffff;
	[tilespmem:s30+$0xFFFFFFF0] =	vst v3  }
.Ltmp3:
0x4e: {  	v4 =	vld.idx.msk [tilespmem:v0+s29+$0xFFFFFFE0 ss:$0x1], $0xffff;
	[tilespmem:s30+$0x0] =	vst v1;
	(pc) =	sbr.rel @p0 .LBB1_4-.Ltmp3, $4  }
0x4f: {  	v3 =	vld.idx.msk [tilespmem:v0+s29+$0xFFFFFFF0 ss:$0x1], $0xffff;
	[tilespmem:s30+$0x10] =	vst v2  }
0x50: {  	v1 =	vld.idx.msk [tilespmem:v0+s29+$0x0 ss:$0x1], $0xffff;
	[tilespmem:s30+$0x20] =	vst v6;
	s30 =	sadd.s32 $0x400, s30  }
0x51: {  	v2 =	vld.idx.msk [tilespmem:v0+s29+$0x10 ss:$0x1], $0xffff;
	[tilespmem:s30+$0x30] =	vst v7  }
0x52: {  	[tilespmem:s30+$0xFFFFFFC0] =	vst v8;
	v6 =	vld.idx.msk [tilespmem:v0+s29+$0x20 ss:$0x1], $0xffff;
	s29 =	sshra.s32 s31, $0x2;
	s31 =	sadd.s32 $0x200, s31  }
0x53: {  	_ =	sdelay $0x2  }
0x54: {  	[tilespmem:s30+$0xFFFFFFD0] =	vst v5  }
0x55: {  	v56 =	vld.idx.msk [tilespmem:v0+s29+$0x30 ss:$0x1], $0xffff;
	[tilespmem:s30+$0xFFFFFFE0] =	vst v4  }
0x56: {  	v57 =	vld.idx.msk [tilespmem:v0+s29+$0xFFFFFFC0 ss:$0x1], $0xffff;
	[tilespmem:s30+$0xFFFFFFF0] =	vst v3  }
0x57: {  	v58 =	vld.idx.msk [tilespmem:v0+s29+$0xFFFFFFD0 ss:$0x1], $0xffff;
	[tilespmem:s30+$0x0] =	vst v1  }
0x58: {  	v59 =	vld.idx.msk [tilespmem:v0+s29+$0xFFFFFFE0 ss:$0x1], $0xffff;
	[tilespmem:s30+$0x10] =	vst v2  }
0x59: {  	v60 =	vld.idx.msk [tilespmem:v0+s29+$0xFFFFFFF0 ss:$0x1], $0xffff;
	s31 =	sadd.s32 $0x400, s30;
	[tilespmem:s30+$0x20] =	vst v6  }
0x5a: {  	v61 =	vld.idx.msk [tilespmem:v0+s29+$0x0 ss:$0x1], $0xffff;
	[tilespmem:s31+$0x30] =	vst v56  }
0x5b: {  	v62 =	vld.idx.msk [tilespmem:v0+s29+$0x10 ss:$0x1], $0xffff;
	s28 =	sadd.s32 $0x1, s28;
	[tilespmem:s31+$0xFFFFFFC0] =	vst v57  }
0x5c: {  	v63 =	vld.idx.msk [tilespmem:v0+s29+$0x20 ss:$0x1], $0xffff;
	p0 =	sne.s32 s28, $0x8;
	[tilespmem:s31+$0xFFFFFFD0] =	vst v58  }
.Ltmp4:
0x5d: {  	[tilespmem:s31+$0xFFFFFFE0] =	vst v59;
	(pc) =	sbr.rel @p0 .LBB1_3-.Ltmp4, $4  }
0x5e: {  	[tilespmem:s31+$0xFFFFFFF0] =	vst v60  }
0x5f: {  	[tilespmem:s31+$0x0] =	vst v61  }
0x60: {  	[tilespmem:s31+$0x10] =	vst v62  }
0x61: {  	s26 =	sadd.s32 $0x80, s26;
	s27 =	sadd.s32 $0x800, s27;
	[tilespmem:s31+$0x20] =	vst v63  }
0x62: {  	p0 =	sgt.s32 s14, $0x2;
	s26 =	smov.u32 s14;
	s27 =	sshra.s32 s14, $0x1F  }
0x63: {  	s26 =	simm.s32 @!p0 $0x2;
	s27 =	sand.u32 s27, s14  }
0x64: {  	p1 =	sgt.s32 s13, $0x4B;
	s28 =	sshra.s32 s13, $0x1F;
	s26 =	ssub.s32 s26, s27  }
0x65: {  	s29 =	smov.u32 s15;
	s30 =	sshra.s32 s15, $0x1F;
	s27 =	sadd.s32 $0xFFFFFFFE, s26  }
0x66: {  	s28 =	sand.u32 s28, s13;
	p0 =	sgt.s32 s27, $0x0;
	s27 =	smov.u32 s13  }
0x67: {  	s26 =	ssub.s32 $0x3, s26;
	s27 =	simm.s32 @!p1 $0x4B;
	p1 =	sgt.s32 s15, $0x8  }
0x68: {  	s27 =	ssub.s32 s27, s28;
	s29 =	simm.s32 @!p1 $0x8;
	s28 =	sand.u32 s30, s15  }
0x69: {  	s26 =	simm.s32 @p0 $0x0;
	s28 =	ssub.s32 s29, s28  }
0x6a: {  	p1 =	sgt.s32 s12, $0x3C;
	s31 =	sadd.s32 $0xFFFFFFB5, s27;
	s28 =	sadd.s32 $0xFFFFFFF8, s28  }
0x6b: {  	s29 =	smov.u32 s12;
	p2 =	sgt.s32 s28, $0x7;
	s28 =	sshll.u32 s28, $0x7  }
0x6c: {  	p0 =	sgt.s32 s31, $0x0;
	s31 =	sshra.s32 s12, $0x1F;
	s28 =	ssub.s32 $0x400, s28  }
0x6d: {  	s29 =	simm.s32 @!p1 $0x3C;
	s30 =	sand.u32 s31, s12;
	s28 =	simm.s32 @p2 $0x0  }
0x6e: {  	s27 =	ssub.s32 $0x4C, s27;
	s29 =	ssub.s32 s29, s30;
	s26 =	smul.u32 s26, s28  }
0x6f: {  	s30 =	sadd.s32 $0xFFFFFFC4, s29;
	s28 =	ssub.s32 $0x4C, s29;
	s29 =	smul.u32 $0x169000, s14  }
0x70: {  	s27 =	simm.s32 @p0 $0x0;
	p0 =	sgt.s32 s30, $0xF;
	s30 =	smul.u32 $0x4C00, s13  }
0x71: {  	s31 =	sshll.u32 s15, $0x4;
	s28 =	simm.s32 @p0 $0x0;
	s26 =	smul.u32 s27, s26  }
.Ltmp5:
0x72: {  	s27 =	sand.u32 $0xF0, s31;
	s29 =	sadd.s32 s4, s29;
	(pc) =	sbr.rel .LBB1_7-.Ltmp5, $4  }
0x73: {  	s27 =	sadd.s32 s27, s29;
	s26 =	smul.u32 s28, s26  }
0x74: {  	s31 =	sshll.u32 s12, $0x8;
	s27 =	sadd.s32 s30, s27  }
0x75: {  	s27 =	sadd.s32 s31, s27;
	s26 =	sand.u32 $0x3FFFFF80, s26  }
0x76: {  	[hbm4b:s27+s9] =	stream.strided.scatter [tilespmem:s25], [sflag:$0x2], s26, s10, s9, $0x38;
	[tilespmem:$0x10000] =	vst v63  }
.LBB1_8:
0x77: {  	_ =	sfence.sel $0x180000  }
0x78: {  	s1 =	simm.s32 $0x1;
	[bflag:$0x0] =	sbarrier.arrive $0xFFFF  }
0x79: {  	s31 =	simm.s32 $0x2;
	[sflag:s1] =	ssyncpa.u1 $0x1  }
0x7a: {  	[sflag:s31] =	ssyncpa.u1 $0x1  }
0x7b: {  	p0 =	sne.s32 s0, $0x0;
	_ =	strace $0x9000004A  }
0x7c: {  	s0 =	sadd.s32 @!p0 $0x100000, s2;
	[bflag:$0x2] =	sbarrier.arrive $0xFFFF  }
0x7d: {  	[sflag:s0] =	ssyncadd.tile.s32 @!p0 $0x1;
	_ =	shalt  }
.Lfunc_end1:
_tile_overlayer_lowered:
.L_overlay_start_2:
0x7e: {  	(tag) =	ssettag $0x2  }
0x7f: {  	s0 =	rddreg [dreg:$0x0];
	s2 =	stileid.u32  }
0x80: {  	s1 =	rddreg [dreg:$0x1];
	p0 =	sne.s32 s2, $0x0  }
0x81: {  	s3 =	rddreg [dreg:$0x2];
	[bflag:$0x3] =	sbarrier.arrive $0xFFFF;
	s2 =	simm.s32 @!p0 $0x1C01  }
0x82: {  	[timem:s3], [sflag:s2] =	dma.local @!p0 [hbm:s0], s1  }
0x83: {  	s0 =	simm.s32 @!p0 $0x1  }
0x84: {  	_ =	swait.ge @!p0 [sflag:s0], s1  }
0x85: {  	s1 =	ssub.s32 @!p0 $0x0, s1;
	[sflag:s0] =	ssyncset.done @!p0 $0x0  }
0x86: {  	[sflag:s0] =	ssyncadd.s32 @!p0 s1  }
0x87: {  	[bflag:$0x3] =	sbarrier.arrive $0xFFFF  }
0x88: {  	_ =	shalt  }

</sc_bundles>
